<compile_context>
chip_gen: v7x
topology: tpu7x:2x2x1
jax: 0.10.2.dev20260603
libtpu: 0.0.44.dev20260713+nightly
codegen_flags: <defaults>
</compile_context>

<pallas_src>
import functools

import jax
import jax.numpy as jnp
from jax import lax
from jax.experimental import pallas as pl
from jax.experimental.pallas import tpu as pltpu
from jax.experimental.pallas import tpu_sc as plsc

_B = 4 * 8192
_D = 1024
_L = 16
_NC, _NS = 2, 16
_NW = _NC * _NS
_BPW = _B // _NW
_C = 16
_NCH = _BPW // _C
_Q = 8
_DQ = _D // _Q
_KQ = _DQ // _L

_mesh = plsc.VectorSubcoreMesh(core_axis_name="c", subcore_axis_name="s")


@functools.partial(
    pl.kernel,
    mesh=_mesh,
    out_type=jax.ShapeDtypeStruct((_B, _D), jnp.float32),
    scratch_types=[
        pltpu.VMEM((_NCH, _C), jnp.int32),
        pltpu.VMEM((3, _D), jnp.float32),
        pltpu.VMEM((2, _C, _D), jnp.float32),
        pltpu.SemaphoreType.DMA,
        pltpu.SemaphoreType.DMA,
        pltpu.SemaphoreType.DMA,
    ],
)
def _sc_embed(idx_hbm, table_hbm, out_hbm, idx_v, tab_v, buf_v, sw0, sw1, s_in):
    wid = lax.axis_index("s") * _NC + lax.axis_index("c")
    base = wid * _BPW
    cp_i = pltpu.async_copy(idx_hbm.at[wid], idx_v, s_in)
    cp_t = pltpu.async_copy(table_hbm, tab_v, sw0)
    cp_i.wait()
    cp_t.wait()
    sw = (sw0, sw1)

    def build(j, b):
        for g in range(_C // _L):
            ids = idx_v[j, pl.ds(g * _L, _L)]
            f1 = jnp.where(ids == 1, 1.0, 0.0).astype(jnp.float32)
            f2 = jnp.where(ids == 2, 1.0, 0.0).astype(jnp.float32)

            def qbody(q, carry):
                r1 = [tab_v[1, pl.ds(q * _DQ + k * _L, _L)] for k in range(_KQ)]
                r2 = [tab_v[2, pl.ds(q * _DQ + k * _L, _L)] for k in range(_KQ)]

                def tok(t, carry2):
                    tv = jnp.full((_L,), t, dtype=jnp.int32)
                    f1t = f1.at[tv].get(mode="promise_in_bounds")
                    f2t = f2.at[tv].get(mode="promise_in_bounds")
                    row = g * _L + t
                    for k in range(_KQ):
                        buf_v[b, row, pl.ds(q * _DQ + k * _L, _L)] = (
                            r1[k] * f1t + r2[k] * f2t)
                    return carry2

                plsc.parallel_loop(0, _L, carry=jnp.int32(0))(tok)
                return carry

            lax.fori_loop(0, _Q, qbody, 0)

    def drain(b):
        pltpu.make_async_copy(
            buf_v.at[b], out_hbm.at[pl.ds(base, _C)], sw[b]).wait()

    def outer(j, carry):
        b = j % 2
        pl.when(jnp.logical_and(j >= 2, b == 0))(lambda: drain(0))
        pl.when(jnp.logical_and(j >= 3, b == 1))(lambda: drain(1))
        build(j, b)
        def _issue(bb):
            def _f():
                pltpu.async_copy(
                    buf_v.at[bb], out_hbm.at[pl.ds(base + j * _C, _C)], sw[bb])
            return _f

        pl.when(b == 0)(_issue(0))
        pl.when(b == 1)(_issue(1))
        return carry

    lax.fori_loop(0, _NCH, outer, 0)
    drain(0)
    drain(1)


def kernel(token_type_ids, table):
    idx = token_type_ids.reshape(_NW, _NCH, _C)
    out = _sc_embed(idx, table)
    return out.reshape(token_type_ids.shape + (_D,))

# --- scband reference (transcript-rebuilt; emitter-appended) ---
"""Pipeline reference for scband-segment-embedding-48352741818497 (READ-ONLY COPY).

The authoritative reference and input builder live on the scoring server;
editing this copy changes nothing except your own understanding.
"""

import jax, jax.numpy as jnp
import numpy as np

NUM_TOKEN_TYPES = 2 + 1  # num_token_types + 1, matching the torch module
EMBED_DIM = 1024
PAD_TOKEN_TYPE = 0


def setup_inputs(seed: int = 0) -> dict:
    key = jax.random.key(seed)
    k_idx, k_tbl = jax.random.split(key)
    token_type_ids = jax.random.randint(k_idx, (4, 8192), 0, NUM_TOKEN_TYPES, dtype=jnp.int32)
    # xavier_normal_ init: std = sqrt(2 / (fan_in + fan_out)) with fan_in=NUM_TOKEN_TYPES, fan_out=EMBED_DIM
    std = (2.0 / (NUM_TOKEN_TYPES + EMBED_DIM)) ** 0.5
    table = jax.random.normal(k_tbl, (NUM_TOKEN_TYPES, EMBED_DIM), dtype=jnp.float32) * std
    # padding row is zeroed, matching the torch module's __init__
    table = table.at[PAD_TOKEN_TYPE].set(0.0)
    return {"token_type_ids": token_type_ids, "table": table}


def reference(token_type_ids, table):
    # nn.Embedding forward == row gather from the table
    segment_embeddings = jnp.take(table, token_type_ids, axis=0)
    return segment_embeddings

if __name__ == "__main__":
    import jax
    _d = setup_inputs()
    print(jax.jit(kernel)(*tuple(_d.values())))

</pallas_src>

<mosaic_0001>
#map = affine_map<(d0, d1) -> (0, 0, 0)>
#map1 = affine_map<(d0, d1) -> (0, 0)>
module attributes {stable_mosaic.version = 14 : i64} {
  func.func @_sc_embed(%arg0: i32, %arg1: i32, %arg2: memref<32x64x16xi32, #tpu.memory_space<hbm>>, %arg3: memref<3x1024xf32, #tpu.memory_space<hbm>>, %arg4: memref<32768x1024xf32, #tpu.memory_space<hbm>>, %arg5: memref<64x16xi32, #tpu.memory_space<vmem>>, %arg6: memref<3x1024xf32, #tpu.memory_space<vmem>>, %arg7: memref<2x16x1024xf32, #tpu.memory_space<vmem>>, %arg8: memref<!tpu.dma_semaphore, #tpu.memory_space<semaphore_mem>>, %arg9: memref<!tpu.dma_semaphore, #tpu.memory_space<semaphore_mem>>, %arg10: memref<!tpu.dma_semaphore, #tpu.memory_space<semaphore_mem>>) attributes {dimension_semantics = [#tpu.dimension_semantics<core_parallel>, #tpu.dimension_semantics<subcore_parallel>], iteration_bounds = array<i64: 2, 16>, scalar_prefetch = 0 : i64, scratch_operands = 6 : i64, tpu.core_type = #tpu.core_type<sc_vector_subcore>, window_params = [{transform_indices = #map}, {transform_indices = #map1}, {transform_indices = #map1}]} {
    %mul3A = arith.constant 2 : i32
    %mul3A_0 = arith.muli %arg1, %mul3A : i32
    %add3A = arith.addi %mul3A_0, %arg0 : i32
    %mul3A_1 = arith.constant 1024 : i32
    %mul3A_2 = arith.muli %add3A, %mul3A_1 : i32
    %dma_start3A = arith.constant 0 : i32
    %dma_start3A_3 = arith.constant 0 : i32
    %dma_start3A_4 = tpu.memref_slice %arg2[%add3A, %dma_start3A, %dma_start3A_3] : memref<32x64x16xi32, #tpu.memory_space<hbm>> -> memref<1x64x16xi32, #tpu.memory_space<hbm>>
    %dma_start3A_5 = tpu.memref_squeeze %dma_start3A_4 : memref<1x64x16xi32, #tpu.memory_space<hbm>> -> memref<64x16xi32, #tpu.memory_space<hbm>>
    %dma_start3A_6 = arith.constant 0 : i32
    %dma_start3A_7 = arith.constant 0 : i32
    %dma_start3A_8 = tpu.memref_slice %arg2[%add3A, %dma_start3A_6, %dma_start3A_7] : memref<32x64x16xi32, #tpu.memory_space<hbm>> -> memref<1x64x16xi32, #tpu.memory_space<hbm>>
    %dma_start3A_9 = tpu.memref_squeeze %dma_start3A_8 : memref<1x64x16xi32, #tpu.memory_space<hbm>> -> memref<64x16xi32, #tpu.memory_space<hbm>>
    tpu.enqueue_dma source(%dma_start3A_9 : memref<64x16xi32, #tpu.memory_space<hbm>>) target(%arg5 : memref<64x16xi32, #tpu.memory_space<vmem>>) target_semaphore(%arg10 : memref<!tpu.dma_semaphore, #tpu.memory_space<semaphore_mem>>)
    tpu.enqueue_dma source(%arg3 : memref<3x1024xf32, #tpu.memory_space<hbm>>) target(%arg6 : memref<3x1024xf32, #tpu.memory_space<vmem>>) target_semaphore(%arg8 : memref<!tpu.dma_semaphore, #tpu.memory_space<semaphore_mem>>)
    %dma_wait3A = arith.constant 0 : i32
    %dma_wait3A_10 = arith.constant 0 : i32
    %dma_wait3A_11 = tpu.memref_slice %arg2[%add3A, %dma_wait3A, %dma_wait3A_10] : memref<32x64x16xi32, #tpu.memory_space<hbm>> -> memref<1x64x16xi32, #tpu.memory_space<hbm>>
    %dma_wait3A_12 = tpu.memref_squeeze %dma_wait3A_11 : memref<1x64x16xi32, #tpu.memory_space<hbm>> -> memref<64x16xi32, #tpu.memory_space<hbm>>
    %dma_wait3A_13 = arith.constant 0 : i32
    %dma_wait3A_14 = arith.constant 0 : i32
    %dma_wait3A_15 = tpu.memref_slice %arg2[%add3A, %dma_wait3A_13, %dma_wait3A_14] : memref<32x64x16xi32, #tpu.memory_space<hbm>> -> memref<1x64x16xi32, #tpu.memory_space<hbm>>
    %dma_wait3A_16 = tpu.memref_squeeze %dma_wait3A_15 : memref<1x64x16xi32, #tpu.memory_space<hbm>> -> memref<64x16xi32, #tpu.memory_space<hbm>>
    tpu.wait_dma2 semaphore(%arg10 : memref<!tpu.dma_semaphore, #tpu.memory_space<semaphore_mem>>) src(%dma_wait3A_16 : memref<64x16xi32, #tpu.memory_space<hbm>>) dst(%arg5 : memref<64x16xi32, #tpu.memory_space<vmem>>)
    tpu.wait_dma2 semaphore(%arg8 : memref<!tpu.dma_semaphore, #tpu.memory_space<semaphore_mem>>) src(%arg3 : memref<3x1024xf32, #tpu.memory_space<hbm>>) dst(%arg6 : memref<3x1024xf32, #tpu.memory_space<vmem>>)
    %scan3A = arith.constant 0 : i32
    %scan3A_17 = arith.constant 0 : i32
    %scan3A_18 = arith.constant 64 : i32
    %scan3A_19 = arith.addi %scan3A_17, %scan3A_18 : i32
    %scan3A_20 = arith.constant 1 : i32
    scf.for %scan3A_48 = %scan3A_17 to %scan3A_19 step %scan3A_20  : i32 {
      %jit3A = arith.constant 2 : i32
      %eq3A = arith.constant 0 : i32
      %eq3A_49 = arith.cmpi eq, %jit3A, %eq3A : i32
      %jit3A_50 = arith.constant 1 : i32
      %select_n3A = arith.select %eq3A_49, %jit3A_50, %jit3A : i32
      %rem3A = arith.remsi %scan3A_48, %select_n3A : i32
      %ne3A = arith.constant 0 : i32
      %ne3A_51 = arith.cmpi ne, %rem3A, %ne3A : i32
      %lt3A = arith.constant 0 : i32
      %lt3A_52 = arith.cmpi slt, %rem3A, %lt3A : i32
      %lt3A_53 = arith.constant 0 : i32
      %lt3A_54 = arith.cmpi slt, %select_n3A, %lt3A_53 : i32
      %ne3A_55 = arith.xori %lt3A_52, %lt3A_54 : i1
      %and3A = arith.andi %ne3A_55, %ne3A_51 : i1
      %add3A_56 = arith.addi %rem3A, %select_n3A : i32
      %select_n3A_57 = arith.select %and3A, %add3A_56, %rem3A : i32
      %ge3A = arith.constant 2 : i32
      %ge3A_58 = arith.cmpi sge, %scan3A_48, %ge3A : i32
      %eq3A_59 = arith.constant 0 : i32
      %eq3A_60 = arith.cmpi eq, %select_n3A_57, %eq3A_59 : i32
      %and3A_61 = arith.andi %ge3A_58, %eq3A_60 : i1
      %convert_element_type3A = arith.extui %and3A_61 : i1 to i32
      %cond3A = arith.constant 0 : i32
      %cond3A_62 = arith.cmpi ne, %convert_element_type3A, %cond3A : i32
      scf.if %cond3A_62 {
        %dma_wait3A_105 = arith.constant 0 : i32
        %dma_wait3A_106 = arith.constant 0 : i32
        %dma_wait3A_107 = arith.constant 0 : i32
        %dma_wait3A_108 = tpu.memref_slice %arg7[%dma_wait3A_105, %dma_wait3A_106, %dma_wait3A_107] : memref<2x16x1024xf32, #tpu.memory_space<vmem>> -> memref<1x16x1024xf32, #tpu.memory_space<vmem>>
        %dma_wait3A_109 = tpu.memref_squeeze %dma_wait3A_108 : memref<1x16x1024xf32, #tpu.memory_space<vmem>> -> memref<16x1024xf32, #tpu.memory_space<vmem>>
        %dma_wait3A_110 = arith.constant 0 : i32
        %dma_wait3A_111 = tpu.memref_slice %arg4[%mul3A_2, %dma_wait3A_110] : memref<32768x1024xf32, #tpu.memory_space<hbm>> -> memref<16x1024xf32, #tpu.memory_space<hbm>>
        %dma_wait3A_112 = arith.constant 0 : i32
        %dma_wait3A_113 = tpu.memref_slice %arg4[%mul3A_2, %dma_wait3A_112] : memref<32768x1024xf32, #tpu.memory_space<hbm>> -> memref<16x1024xf32, #tpu.memory_space<hbm>>
        %dma_wait3A_114 = arith.constant 0 : i32
        %dma_wait3A_115 = arith.constant 0 : i32
        %dma_wait3A_116 = tpu.memref_slice %arg7[%dma_wait3A_105, %dma_wait3A_114, %dma_wait3A_115] : memref<2x16x1024xf32, #tpu.memory_space<vmem>> -> memref<1x16x1024xf32, #tpu.memory_space<vmem>>
        %dma_wait3A_117 = tpu.memref_squeeze %dma_wait3A_116 : memref<1x16x1024xf32, #tpu.memory_space<vmem>> -> memref<16x1024xf32, #tpu.memory_space<vmem>>
        tpu.wait_dma2 semaphore(%arg8 : memref<!tpu.dma_semaphore, #tpu.memory_space<semaphore_mem>>) src(%dma_wait3A_117 : memref<16x1024xf32, #tpu.memory_space<vmem>>) dst(%dma_wait3A_113 : memref<16x1024xf32, #tpu.memory_space<hbm>>)
      } else {
      }
      %ge3A_63 = arith.constant 3 : i32
      %ge3A_64 = arith.cmpi sge, %scan3A_48, %ge3A_63 : i32
      %eq3A_65 = arith.constant 1 : i32
      %eq3A_66 = arith.cmpi eq, %select_n3A_57, %eq3A_65 : i32
      %and3A_67 = arith.andi %ge3A_64, %eq3A_66 : i1
      %convert_element_type3A_68 = arith.extui %and3A_67 : i1 to i32
      %cond3A_69 = arith.constant 0 : i32
      %cond3A_70 = arith.cmpi ne, %convert_element_type3A_68, %cond3A_69 : i32
      scf.if %cond3A_70 {
        %dma_wait3A_105 = arith.constant 1 : i32
        %dma_wait3A_106 = arith.constant 0 : i32
        %dma_wait3A_107 = arith.constant 0 : i32
        %dma_wait3A_108 = tpu.memref_slice %arg7[%dma_wait3A_105, %dma_wait3A_106, %dma_wait3A_107] : memref<2x16x1024xf32, #tpu.memory_space<vmem>> -> memref<1x16x1024xf32, #tpu.memory_space<vmem>>
        %dma_wait3A_109 = tpu.memref_squeeze %dma_wait3A_108 : memref<1x16x1024xf32, #tpu.memory_space<vmem>> -> memref<16x1024xf32, #tpu.memory_space<vmem>>
        %dma_wait3A_110 = arith.constant 0 : i32
        %dma_wait3A_111 = tpu.memref_slice %arg4[%mul3A_2, %dma_wait3A_110] : memref<32768x1024xf32, #tpu.memory_space<hbm>> -> memref<16x1024xf32, #tpu.memory_space<hbm>>
        %dma_wait3A_112 = arith.constant 0 : i32
        %dma_wait3A_113 = tpu.memref_slice %arg4[%mul3A_2, %dma_wait3A_112] : memref<32768x1024xf32, #tpu.memory_space<hbm>> -> memref<16x1024xf32, #tpu.memory_space<hbm>>
        %dma_wait3A_114 = arith.constant 0 : i32
        %dma_wait3A_115 = arith.constant 0 : i32
        %dma_wait3A_116 = tpu.memref_slice %arg7[%dma_wait3A_105, %dma_wait3A_114, %dma_wait3A_115] : memref<2x16x1024xf32, #tpu.memory_space<vmem>> -> memref<1x16x1024xf32, #tpu.memory_space<vmem>>
        %dma_wait3A_117 = tpu.memref_squeeze %dma_wait3A_116 : memref<1x16x1024xf32, #tpu.memory_space<vmem>> -> memref<16x1024xf32, #tpu.memory_space<vmem>>
        tpu.wait_dma2 semaphore(%arg9 : memref<!tpu.dma_semaphore, #tpu.memory_space<semaphore_mem>>) src(%dma_wait3A_117 : memref<16x1024xf32, #tpu.memory_space<vmem>>) dst(%dma_wait3A_113 : memref<16x1024xf32, #tpu.memory_space<hbm>>)
      } else {
      }
      %get3A = arith.index_cast %scan3A_48 : i32 to index
      %get3A_71 = arith.constant 0 : index
      %get3A_72 = tpu.vector_load %arg5[%get3A, %get3A_71] {strides = array<i32>} : memref<64x16xi32, #tpu.memory_space<vmem>>, vector<1x16xi32>,
      %get3A_73 = vector.shape_cast %get3A_72 : vector<1x16xi32> to vector<16xi32>
      %eq3A_74 = arith.constant 1 : i32
      %eq3A_75 = vector.broadcast %eq3A_74 : i32 to vector<16xi32>
      %eq3A_76 = arith.cmpi eq, %get3A_73, %eq3A_75 : vector<16xi32>
      %jit3A_77 = arith.constant 1.000000e+00 : f32
      %jit3A_78 = arith.constant 0.000000e+00 : f32
      %broadcast_in_dim3A = vector.broadcast %jit3A_77 : f32 to vector<16xf32>
      %broadcast_in_dim3A_79 = vector.broadcast %jit3A_78 : f32 to vector<16xf32>
      %select_n3A_80 = arith.select %eq3A_76, %broadcast_in_dim3A, %broadcast_in_dim3A_79 : vector<16xi1>, vector<16xf32>
      %eq3A_81 = arith.constant 2 : i32
      %eq3A_82 = vector.broadcast %eq3A_81 : i32 to vector<16xi32>
      %eq3A_83 = arith.cmpi eq, %get3A_73, %eq3A_82 : vector<16xi32>
      %jit3A_84 = arith.constant 1.000000e+00 : f32
      %jit3A_85 = arith.constant 0.000000e+00 : f32
      %broadcast_in_dim3A_86 = vector.broadcast %jit3A_84 : f32 to vector<16xf32>
      %broadcast_in_dim3A_87 = vector.broadcast %jit3A_85 : f32 to vector<16xf32>
      %select_n3A_88 = arith.select %eq3A_83, %broadcast_in_dim3A_86, %broadcast_in_dim3A_87 : vector<16xi1>, vector<16xf32>
      %scan3A_89 = arith.constant 0 : i32
      %scan3A_90 = arith.constant 0 : i32
      %scan3A_91 = arith.constant 8 : i32
      %scan3A_92 = arith.addi %scan3A_90, %scan3A_91 : i32
      %scan3A_93 = arith.constant 1 : i32
      scf.for %scan3A_105 = %scan3A_90 to %scan3A_92 step %scan3A_93  : i32 {
        %mul3A_106 = arith.constant 128 : i32
        %mul3A_107 = arith.muli %scan3A_105, %mul3A_106 : i32
        %add3A_108 = arith.constant 0 : i32
        %add3A_109 = arith.addi %mul3A_107, %add3A_108 : i32
        %get3A_110 = arith.constant 1 : i32
        %get3A_111 = arith.index_cast %get3A_110 : i32 to index
        %get3A_112 = arith.index_cast %add3A_109 : i32 to index
        %get3A_113 = tpu.vector_load %arg6[%get3A_111, %get3A_112] {strides = array<i32>} : memref<3x1024xf32, #tpu.memory_space<vmem>>, vector<1x16xf32>,
        %get3A_114 = vector.shape_cast %get3A_113 : vector<1x16xf32> to vector<16xf32>
        %mul3A_115 = arith.constant 128 : i32
        %mul3A_116 = arith.muli %scan3A_105, %mul3A_115 : i32
        %add3A_117 = arith.constant 16 : i32
        %add3A_118 = arith.addi %mul3A_116, %add3A_117 : i32
        %get3A_119 = arith.constant 1 : i32
        %get3A_120 = arith.index_cast %get3A_119 : i32 to index
        %get3A_121 = arith.index_cast %add3A_118 : i32 to index
        %get3A_122 = tpu.vector_load %arg6[%get3A_120, %get3A_121] {strides = array<i32>} : memref<3x1024xf32, #tpu.memory_space<vmem>>, vector<1x16xf32>,
        %get3A_123 = vector.shape_cast %get3A_122 : vector<1x16xf32> to vector<16xf32>
        %mul3A_124 = arith.constant 128 : i32
        %mul3A_125 = arith.muli %scan3A_105, %mul3A_124 : i32
        %add3A_126 = arith.constant 32 : i32
        %add3A_127 = arith.addi %mul3A_125, %add3A_126 : i32
        %get3A_128 = arith.constant 1 : i32
        %get3A_129 = arith.index_cast %get3A_128 : i32 to index
        %get3A_130 = arith.index_cast %add3A_127 : i32 to index
        %get3A_131 = tpu.vector_load %arg6[%get3A_129, %get3A_130] {strides = array<i32>} : memref<3x1024xf32, #tpu.memory_space<vmem>>, vector<1x16xf32>,
        %get3A_132 = vector.shape_cast %get3A_131 : vector<1x16xf32> to vector<16xf32>
        %mul3A_133 = arith.constant 128 : i32
        %mul3A_134 = arith.muli %scan3A_105, %mul3A_133 : i32
        %add3A_135 = arith.constant 48 : i32
        %add3A_136 = arith.addi %mul3A_134, %add3A_135 : i32
        %get3A_137 = arith.constant 1 : i32
        %get3A_138 = arith.index_cast %get3A_137 : i32 to index
        %get3A_139 = arith.index_cast %add3A_136 : i32 to index
        %get3A_140 = tpu.vector_load %arg6[%get3A_138, %get3A_139] {strides = array<i32>} : memref<3x1024xf32, #tpu.memory_space<vmem>>, vector<1x16xf32>,
        %get3A_141 = vector.shape_cast %get3A_140 : vector<1x16xf32> to vector<16xf32>
        %mul3A_142 = arith.constant 128 : i32
        %mul3A_143 = arith.muli %scan3A_105, %mul3A_142 : i32
        %add3A_144 = arith.constant 64 : i32
        %add3A_145 = arith.addi %mul3A_143, %add3A_144 : i32
        %get3A_146 = arith.constant 1 : i32
        %get3A_147 = arith.index_cast %get3A_146 : i32 to index
        %get3A_148 = arith.index_cast %add3A_145 : i32 to index
        %get3A_149 = tpu.vector_load %arg6[%get3A_147, %get3A_148] {strides = array<i32>} : memref<3x1024xf32, #tpu.memory_space<vmem>>, vector<1x16xf32>,
        %get3A_150 = vector.shape_cast %get3A_149 : vector<1x16xf32> to vector<16xf32>
        %mul3A_151 = arith.constant 128 : i32
        %mul3A_152 = arith.muli %scan3A_105, %mul3A_151 : i32
        %add3A_153 = arith.constant 80 : i32
        %add3A_154 = arith.addi %mul3A_152, %add3A_153 : i32
        %get3A_155 = arith.constant 1 : i32
        %get3A_156 = arith.index_cast %get3A_155 : i32 to index
        %get3A_157 = arith.index_cast %add3A_154 : i32 to index
        %get3A_158 = tpu.vector_load %arg6[%get3A_156, %get3A_157] {strides = array<i32>} : memref<3x1024xf32, #tpu.memory_space<vmem>>, vector<1x16xf32>,
        %get3A_159 = vector.shape_cast %get3A_158 : vector<1x16xf32> to vector<16xf32>
        %mul3A_160 = arith.constant 128 : i32
        %mul3A_161 = arith.muli %scan3A_105, %mul3A_160 : i32
        %add3A_162 = arith.constant 96 : i32
        %add3A_163 = arith.addi %mul3A_161, %add3A_162 : i32
        %get3A_164 = arith.constant 1 : i32
        %get3A_165 = arith.index_cast %get3A_164 : i32 to index
        %get3A_166 = arith.index_cast %add3A_163 : i32 to index
        %get3A_167 = tpu.vector_load %arg6[%get3A_165, %get3A_166] {strides = array<i32>} : memref<3x1024xf32, #tpu.memory_space<vmem>>, vector<1x16xf32>,
        %get3A_168 = vector.shape_cast %get3A_167 : vector<1x16xf32> to vector<16xf32>
        %mul3A_169 = arith.constant 128 : i32
        %mul3A_170 = arith.muli %scan3A_105, %mul3A_169 : i32
        %add3A_171 = arith.constant 112 : i32
        %add3A_172 = arith.addi %mul3A_170, %add3A_171 : i32
        %get3A_173 = arith.constant 1 : i32
        %get3A_174 = arith.index_cast %get3A_173 : i32 to index
        %get3A_175 = arith.index_cast %add3A_172 : i32 to index
        %get3A_176 = tpu.vector_load %arg6[%get3A_174, %get3A_175] {strides = array<i32>} : memref<3x1024xf32, #tpu.memory_space<vmem>>, vector<1x16xf32>,
        %get3A_177 = vector.shape_cast %get3A_176 : vector<1x16xf32> to vector<16xf32>
        %mul3A_178 = arith.constant 128 : i32
        %mul3A_179 = arith.muli %scan3A_105, %mul3A_178 : i32
        %add3A_180 = arith.constant 0 : i32
        %add3A_181 = arith.addi %mul3A_179, %add3A_180 : i32
        %get3A_182 = arith.constant 2 : i32
        %get3A_183 = arith.index_cast %get3A_182 : i32 to index
        %get3A_184 = arith.index_cast %add3A_181 : i32 to index
        %get3A_185 = tpu.vector_load %arg6[%get3A_183, %get3A_184] {strides = array<i32>} : memref<3x1024xf32, #tpu.memory_space<vmem>>, vector<1x16xf32>,
        %get3A_186 = vector.shape_cast %get3A_185 : vector<1x16xf32> to vector<16xf32>
        %mul3A_187 = arith.constant 128 : i32
        %mul3A_188 = arith.muli %scan3A_105, %mul3A_187 : i32
        %add3A_189 = arith.constant 16 : i32
        %add3A_190 = arith.addi %mul3A_188, %add3A_189 : i32
        %get3A_191 = arith.constant 2 : i32
        %get3A_192 = arith.index_cast %get3A_191 : i32 to index
        %get3A_193 = arith.index_cast %add3A_190 : i32 to index
        %get3A_194 = tpu.vector_load %arg6[%get3A_192, %get3A_193] {strides = array<i32>} : memref<3x1024xf32, #tpu.memory_space<vmem>>, vector<1x16xf32>,
        %get3A_195 = vector.shape_cast %get3A_194 : vector<1x16xf32> to vector<16xf32>
        %mul3A_196 = arith.constant 128 : i32
        %mul3A_197 = arith.muli %scan3A_105, %mul3A_196 : i32
        %add3A_198 = arith.constant 32 : i32
        %add3A_199 = arith.addi %mul3A_197, %add3A_198 : i32
        %get3A_200 = arith.constant 2 : i32
        %get3A_201 = arith.index_cast %get3A_200 : i32 to index
        %get3A_202 = arith.index_cast %add3A_199 : i32 to index
        %get3A_203 = tpu.vector_load %arg6[%get3A_201, %get3A_202] {strides = array<i32>} : memref<3x1024xf32, #tpu.memory_space<vmem>>, vector<1x16xf32>,
        %get3A_204 = vector.shape_cast %get3A_203 : vector<1x16xf32> to vector<16xf32>
        %mul3A_205 = arith.constant 128 : i32
        %mul3A_206 = arith.muli %scan3A_105, %mul3A_205 : i32
        %add3A_207 = arith.constant 48 : i32
        %add3A_208 = arith.addi %mul3A_206, %add3A_207 : i32
        %get3A_209 = arith.constant 2 : i32
        %get3A_210 = arith.index_cast %get3A_209 : i32 to index
        %get3A_211 = arith.index_cast %add3A_208 : i32 to index
        %get3A_212 = tpu.vector_load %arg6[%get3A_210, %get3A_211] {strides = array<i32>} : memref<3x1024xf32, #tpu.memory_space<vmem>>, vector<1x16xf32>,
        %get3A_213 = vector.shape_cast %get3A_212 : vector<1x16xf32> to vector<16xf32>
        %mul3A_214 = arith.constant 128 : i32
        %mul3A_215 = arith.muli %scan3A_105, %mul3A_214 : i32
        %add3A_216 = arith.constant 64 : i32
        %add3A_217 = arith.addi %mul3A_215, %add3A_216 : i32
        %get3A_218 = arith.constant 2 : i32
        %get3A_219 = arith.index_cast %get3A_218 : i32 to index
        %get3A_220 = arith.index_cast %add3A_217 : i32 to index
        %get3A_221 = tpu.vector_load %arg6[%get3A_219, %get3A_220] {strides = array<i32>} : memref<3x1024xf32, #tpu.memory_space<vmem>>, vector<1x16xf32>,
        %get3A_222 = vector.shape_cast %get3A_221 : vector<1x16xf32> to vector<16xf32>
        %mul3A_223 = arith.constant 128 : i32
        %mul3A_224 = arith.muli %scan3A_105, %mul3A_223 : i32
        %add3A_225 = arith.constant 80 : i32
        %add3A_226 = arith.addi %mul3A_224, %add3A_225 : i32
        %get3A_227 = arith.constant 2 : i32
        %get3A_228 = arith.index_cast %get3A_227 : i32 to index
        %get3A_229 = arith.index_cast %add3A_226 : i32 to index
        %get3A_230 = tpu.vector_load %arg6[%get3A_228, %get3A_229] {strides = array<i32>} : memref<3x1024xf32, #tpu.memory_space<vmem>>, vector<1x16xf32>,
        %get3A_231 = vector.shape_cast %get3A_230 : vector<1x16xf32> to vector<16xf32>
        %mul3A_232 = arith.constant 128 : i32
        %mul3A_233 = arith.muli %scan3A_105, %mul3A_232 : i32
        %add3A_234 = arith.constant 96 : i32
        %add3A_235 = arith.addi %mul3A_233, %add3A_234 : i32
        %get3A_236 = arith.constant 2 : i32
        %get3A_237 = arith.index_cast %get3A_236 : i32 to index
        %get3A_238 = arith.index_cast %add3A_235 : i32 to index
        %get3A_239 = tpu.vector_load %arg6[%get3A_237, %get3A_238] {strides = array<i32>} : memref<3x1024xf32, #tpu.memory_space<vmem>>, vector<1x16xf32>,
        %get3A_240 = vector.shape_cast %get3A_239 : vector<1x16xf32> to vector<16xf32>
        %mul3A_241 = arith.constant 128 : i32
        %mul3A_242 = arith.muli %scan3A_105, %mul3A_241 : i32
        %add3A_243 = arith.constant 112 : i32
        %add3A_244 = arith.addi %mul3A_242, %add3A_243 : i32
        %get3A_245 = arith.constant 2 : i32
        %get3A_246 = arith.index_cast %get3A_245 : i32 to index
        %get3A_247 = arith.index_cast %add3A_244 : i32 to index
        %get3A_248 = tpu.vector_load %arg6[%get3A_246, %get3A_247] {strides = array<i32>} : memref<3x1024xf32, #tpu.memory_space<vmem>>, vector<1x16xf32>,
        %get3A_249 = vector.shape_cast %get3A_248 : vector<1x16xf32> to vector<16xf32>
        %parallel_loop3A = arith.constant 0 : i32
        %parallel_loop3A_250 = arith.constant 16 : i32
        %parallel_loop3A_251 = arith.constant 1 : i32
        %parallel_loop3A_252 = arith.constant 0 : i32
        %parallel_loop3A_253 = scf.for %parallel_loop3A_254 = %parallel_loop3A to %parallel_loop3A_250 step %parallel_loop3A_251 iter_args(%parallel_loop3A_255 = %parallel_loop3A_252) -> (i32)  : i32 {
          %parallel_loop3A_256 = vector.broadcast %parallel_loop3A_254 : i32 to vector<16xi32>
          %parallel_loop3A_257 = arith.constant 0 : i32
          %parallel_loop3A_258 = vector.broadcast %parallel_loop3A_257 : i32 to vector<16xi32>
          %parallel_loop3A_259 = arith.cmpi slt, %parallel_loop3A_256, %parallel_loop3A_258 : vector<16xi32>
          %parallel_loop3A_260 = arith.constant 16 : i32
          %parallel_loop3A_261 = vector.broadcast %parallel_loop3A_260 : i32 to vector<16xi32>
          %parallel_loop3A_262 = arith.addi %parallel_loop3A_256, %parallel_loop3A_261 : vector<16xi32>
          %parallel_loop3A_263 = arith.select %parallel_loop3A_259, %parallel_loop3A_262, %parallel_loop3A_256 : vector<16xi1>, vector<16xi32>
          %parallel_loop3A_264 = vector.shape_cast %parallel_loop3A_263 : vector<16xi32> to vector<16x1xi32>
          %parallel_loop3A_265 = vector.shape_cast %parallel_loop3A_264 : vector<16x1xi32> to vector<16xi32>
          %parallel_loop3A_266 = tpu.dynamic_gather %select_n3A_80[%parallel_loop3A_265] in [0] : vector<16xf32>, vector<16xi32> -> vector<16xf32>
          %parallel_loop3A_267 = arith.constant 0 : i32
          %parallel_loop3A_268 = vector.broadcast %parallel_loop3A_267 : i32 to vector<16xi32>
          %parallel_loop3A_269 = arith.cmpi slt, %parallel_loop3A_256, %parallel_loop3A_268 : vector<16xi32>
          %parallel_loop3A_270 = arith.constant 16 : i32
          %parallel_loop3A_271 = vector.broadcast %parallel_loop3A_270 : i32 to vector<16xi32>
          %parallel_loop3A_272 = arith.addi %parallel_loop3A_256, %parallel_loop3A_271 : vector<16xi32>
          %parallel_loop3A_273 = arith.select %parallel_loop3A_269, %parallel_loop3A_272, %parallel_loop3A_256 : vector<16xi1>, vector<16xi32>
          %parallel_loop3A_274 = vector.shape_cast %parallel_loop3A_273 : vector<16xi32> to vector<16x1xi32>
          %parallel_loop3A_275 = vector.shape_cast %parallel_loop3A_274 : vector<16x1xi32> to vector<16xi32>
          %parallel_loop3A_276 = tpu.dynamic_gather %select_n3A_88[%parallel_loop3A_275] in [0] : vector<16xf32>, vector<16xi32> -> vector<16xf32>
          %parallel_loop3A_277 = arith.constant 0 : i32
          %parallel_loop3A_278 = arith.addi %parallel_loop3A_277, %parallel_loop3A_254 : i32
          %parallel_loop3A_279 = arith.mulf %get3A_114, %parallel_loop3A_266 : vector<16xf32>
          %parallel_loop3A_280 = arith.mulf %get3A_186, %parallel_loop3A_276 : vector<16xf32>
          %parallel_loop3A_281 = arith.addf %parallel_loop3A_279, %parallel_loop3A_280 : vector<16xf32>
          %parallel_loop3A_282 = arith.constant 128 : i32
          %parallel_loop3A_283 = arith.muli %scan3A_105, %parallel_loop3A_282 : i32
          %parallel_loop3A_284 = arith.constant 0 : i32
          %parallel_loop3A_285 = arith.addi %parallel_loop3A_283, %parallel_loop3A_284 : i32
          %parallel_loop3A_286 = arith.index_cast %select_n3A_57 : i32 to index
          %parallel_loop3A_287 = arith.index_cast %parallel_loop3A_278 : i32 to index
          %parallel_loop3A_288 = arith.index_cast %parallel_loop3A_285 : i32 to index
          %parallel_loop3A_289 = tpu.vector_load %arg7[%parallel_loop3A_286, %parallel_loop3A_287, %parallel_loop3A_288] {strides = array<i32>} : memref<2x16x1024xf32, #tpu.memory_space<vmem>>, vector<1x1x16xf32>,
          %parallel_loop3A_290 = vector.shape_cast %parallel_loop3A_289 : vector<1x1x16xf32> to vector<16xf32>
          %parallel_loop3A_291 = vector.shape_cast %parallel_loop3A_281 : vector<16xf32> to vector<1x1x16xf32>
          tpu.vector_store %arg7[%parallel_loop3A_286, %parallel_loop3A_287, %parallel_loop3A_288], %parallel_loop3A_291 {strides = array<i32>} : memref<2x16x1024xf32, #tpu.memory_space<vmem>>, vector<1x1x16xf32>,
          %parallel_loop3A_292 = arith.mulf %get3A_123, %parallel_loop3A_266 : vector<16xf32>
          %parallel_loop3A_293 = arith.mulf %get3A_195, %parallel_loop3A_276 : vector<16xf32>
          %parallel_loop3A_294 = arith.addf %parallel_loop3A_292, %parallel_loop3A_293 : vector<16xf32>
          %parallel_loop3A_295 = arith.constant 128 : i32
          %parallel_loop3A_296 = arith.muli %scan3A_105, %parallel_loop3A_295 : i32
          %parallel_loop3A_297 = arith.constant 16 : i32
          %parallel_loop3A_298 = arith.addi %parallel_loop3A_296, %parallel_loop3A_297 : i32
          %parallel_loop3A_299 = arith.index_cast %select_n3A_57 : i32 to index
          %parallel_loop3A_300 = arith.index_cast %parallel_loop3A_278 : i32 to index
          %parallel_loop3A_301 = arith.index_cast %parallel_loop3A_298 : i32 to index
          %parallel_loop3A_302 = tpu.vector_load %arg7[%parallel_loop3A_299, %parallel_loop3A_300, %parallel_loop3A_301] {strides = array<i32>} : memref<2x16x1024xf32, #tpu.memory_space<vmem>>, vector<1x1x16xf32>,
          %parallel_loop3A_303 = vector.shape_cast %parallel_loop3A_302 : vector<1x1x16xf32> to vector<16xf32>
          %parallel_loop3A_304 = vector.shape_cast %parallel_loop3A_294 : vector<16xf32> to vector<1x1x16xf32>
          tpu.vector_store %arg7[%parallel_loop3A_299, %parallel_loop3A_300, %parallel_loop3A_301], %parallel_loop3A_304 {strides = array<i32>} : memref<2x16x1024xf32, #tpu.memory_space<vmem>>, vector<1x1x16xf32>,
          %parallel_loop3A_305 = arith.mulf %get3A_132, %parallel_loop3A_266 : vector<16xf32>
          %parallel_loop3A_306 = arith.mulf %get3A_204, %parallel_loop3A_276 : vector<16xf32>
          %parallel_loop3A_307 = arith.addf %parallel_loop3A_305, %parallel_loop3A_306 : vector<16xf32>
          %parallel_loop3A_308 = arith.constant 128 : i32
          %parallel_loop3A_309 = arith.muli %scan3A_105, %parallel_loop3A_308 : i32
          %parallel_loop3A_310 = arith.constant 32 : i32
          %parallel_loop3A_311 = arith.addi %parallel_loop3A_309, %parallel_loop3A_310 : i32
          %parallel_loop3A_312 = arith.index_cast %select_n3A_57 : i32 to index
          %parallel_loop3A_313 = arith.index_cast %parallel_loop3A_278 : i32 to index
          %parallel_loop3A_314 = arith.index_cast %parallel_loop3A_311 : i32 to index
          %parallel_loop3A_315 = tpu.vector_load %arg7[%parallel_loop3A_312, %parallel_loop3A_313, %parallel_loop3A_314] {strides = array<i32>} : memref<2x16x1024xf32, #tpu.memory_space<vmem>>, vector<1x1x16xf32>,
          %parallel_loop3A_316 = vector.shape_cast %parallel_loop3A_315 : vector<1x1x16xf32> to vector<16xf32>
          %parallel_loop3A_317 = vector.shape_cast %parallel_loop3A_307 : vector<16xf32> to vector<1x1x16xf32>
          tpu.vector_store %arg7[%parallel_loop3A_312, %parallel_loop3A_313, %parallel_loop3A_314], %parallel_loop3A_317 {strides = array<i32>} : memref<2x16x1024xf32, #tpu.memory_space<vmem>>, vector<1x1x16xf32>,
          %parallel_loop3A_318 = arith.mulf %get3A_141, %parallel_loop3A_266 : vector<16xf32>
          %parallel_loop3A_319 = arith.mulf %get3A_213, %parallel_loop3A_276 : vector<16xf32>
          %parallel_loop3A_320 = arith.addf %parallel_loop3A_318, %parallel_loop3A_319 : vector<16xf32>
          %parallel_loop3A_321 = arith.constant 128 : i32
          %parallel_loop3A_322 = arith.muli %scan3A_105, %parallel_loop3A_321 : i32
          %parallel_loop3A_323 = arith.constant 48 : i32
          %parallel_loop3A_324 = arith.addi %parallel_loop3A_322, %parallel_loop3A_323 : i32
          %parallel_loop3A_325 = arith.index_cast %select_n3A_57 : i32 to index
          %parallel_loop3A_326 = arith.index_cast %parallel_loop3A_278 : i32 to index
          %parallel_loop3A_327 = arith.index_cast %parallel_loop3A_324 : i32 to index
          %parallel_loop3A_328 = tpu.vector_load %arg7[%parallel_loop3A_325, %parallel_loop3A_326, %parallel_loop3A_327] {strides = array<i32>} : memref<2x16x1024xf32, #tpu.memory_space<vmem>>, vector<1x1x16xf32>,
          %parallel_loop3A_329 = vector.shape_cast %parallel_loop3A_328 : vector<1x1x16xf32> to vector<16xf32>
          %parallel_loop3A_330 = vector.shape_cast %parallel_loop3A_320 : vector<16xf32> to vector<1x1x16xf32>
          tpu.vector_store %arg7[%parallel_loop3A_325, %parallel_loop3A_326, %parallel_loop3A_327], %parallel_loop3A_330 {strides = array<i32>} : memref<2x16x1024xf32, #tpu.memory_space<vmem>>, vector<1x1x16xf32>,
          %parallel_loop3A_331 = arith.mulf %get3A_150, %parallel_loop3A_266 : vector<16xf32>
          %parallel_loop3A_332 = arith.mulf %get3A_222, %parallel_loop3A_276 : vector<16xf32>
          %parallel_loop3A_333 = arith.addf %parallel_loop3A_331, %parallel_loop3A_332 : vector<16xf32>
          %parallel_loop3A_334 = arith.constant 128 : i32
          %parallel_loop3A_335 = arith.muli %scan3A_105, %parallel_loop3A_334 : i32
          %parallel_loop3A_336 = arith.constant 64 : i32
          %parallel_loop3A_337 = arith.addi %parallel_loop3A_335, %parallel_loop3A_336 : i32
          %parallel_loop3A_338 = arith.index_cast %select_n3A_57 : i32 to index
          %parallel_loop3A_339 = arith.index_cast %parallel_loop3A_278 : i32 to index
          %parallel_loop3A_340 = arith.index_cast %parallel_loop3A_337 : i32 to index
          %parallel_loop3A_341 = tpu.vector_load %arg7[%parallel_loop3A_338, %parallel_loop3A_339, %parallel_loop3A_340] {strides = array<i32>} : memref<2x16x1024xf32, #tpu.memory_space<vmem>>, vector<1x1x16xf32>,
          %parallel_loop3A_342 = vector.shape_cast %parallel_loop3A_341 : vector<1x1x16xf32> to vector<16xf32>
          %parallel_loop3A_343 = vector.shape_cast %parallel_loop3A_333 : vector<16xf32> to vector<1x1x16xf32>
          tpu.vector_store %arg7[%parallel_loop3A_338, %parallel_loop3A_339, %parallel_loop3A_340], %parallel_loop3A_343 {strides = array<i32>} : memref<2x16x1024xf32, #tpu.memory_space<vmem>>, vector<1x1x16xf32>,
          %parallel_loop3A_344 = arith.mulf %get3A_159, %parallel_loop3A_266 : vector<16xf32>
          %parallel_loop3A_345 = arith.mulf %get3A_231, %parallel_loop3A_276 : vector<16xf32>
          %parallel_loop3A_346 = arith.addf %parallel_loop3A_344, %parallel_loop3A_345 : vector<16xf32>
          %parallel_loop3A_347 = arith.constant 128 : i32
          %parallel_loop3A_348 = arith.muli %scan3A_105, %parallel_loop3A_347 : i32
          %parallel_loop3A_349 = arith.constant 80 : i32
          %parallel_loop3A_350 = arith.addi %parallel_loop3A_348, %parallel_loop3A_349 : i32
          %parallel_loop3A_351 = arith.index_cast %select_n3A_57 : i32 to index
          %parallel_loop3A_352 = arith.index_cast %parallel_loop3A_278 : i32 to index
          %parallel_loop3A_353 = arith.index_cast %parallel_loop3A_350 : i32 to index
          %parallel_loop3A_354 = tpu.vector_load %arg7[%parallel_loop3A_351, %parallel_loop3A_352, %parallel_loop3A_353] {strides = array<i32>} : memref<2x16x1024xf32, #tpu.memory_space<vmem>>, vector<1x1x16xf32>,
          %parallel_loop3A_355 = vector.shape_cast %parallel_loop3A_354 : vector<1x1x16xf32> to vector<16xf32>
          %parallel_loop3A_356 = vector.shape_cast %parallel_loop3A_346 : vector<16xf32> to vector<1x1x16xf32>
          tpu.vector_store %arg7[%parallel_loop3A_351, %parallel_loop3A_352, %parallel_loop3A_353], %parallel_loop3A_356 {strides = array<i32>} : memref<2x16x1024xf32, #tpu.memory_space<vmem>>, vector<1x1x16xf32>,
          %parallel_loop3A_357 = arith.mulf %get3A_168, %parallel_loop3A_266 : vector<16xf32>
          %parallel_loop3A_358 = arith.mulf %get3A_240, %parallel_loop3A_276 : vector<16xf32>
          %parallel_loop3A_359 = arith.addf %parallel_loop3A_357, %parallel_loop3A_358 : vector<16xf32>
          %parallel_loop3A_360 = arith.constant 128 : i32
          %parallel_loop3A_361 = arith.muli %scan3A_105, %parallel_loop3A_360 : i32
          %parallel_loop3A_362 = arith.constant 96 : i32
          %parallel_loop3A_363 = arith.addi %parallel_loop3A_361, %parallel_loop3A_362 : i32
          %parallel_loop3A_364 = arith.index_cast %select_n3A_57 : i32 to index
          %parallel_loop3A_365 = arith.index_cast %parallel_loop3A_278 : i32 to index
          %parallel_loop3A_366 = arith.index_cast %parallel_loop3A_363 : i32 to index
          %parallel_loop3A_367 = tpu.vector_load %arg7[%parallel_loop3A_364, %parallel_loop3A_365, %parallel_loop3A_366] {strides = array<i32>} : memref<2x16x1024xf32, #tpu.memory_space<vmem>>, vector<1x1x16xf32>,
          %parallel_loop3A_368 = vector.shape_cast %parallel_loop3A_367 : vector<1x1x16xf32> to vector<16xf32>
          %parallel_loop3A_369 = vector.shape_cast %parallel_loop3A_359 : vector<16xf32> to vector<1x1x16xf32>
          tpu.vector_store %arg7[%parallel_loop3A_364, %parallel_loop3A_365, %parallel_loop3A_366], %parallel_loop3A_369 {strides = array<i32>} : memref<2x16x1024xf32, #tpu.memory_space<vmem>>, vector<1x1x16xf32>,
          %parallel_loop3A_370 = arith.mulf %get3A_177, %parallel_loop3A_266 : vector<16xf32>
          %parallel_loop3A_371 = arith.mulf %get3A_249, %parallel_loop3A_276 : vector<16xf32>
          %parallel_loop3A_372 = arith.addf %parallel_loop3A_370, %parallel_loop3A_371 : vector<16xf32>
          %parallel_loop3A_373 = arith.constant 128 : i32
          %parallel_loop3A_374 = arith.muli %scan3A_105, %parallel_loop3A_373 : i32
          %parallel_loop3A_375 = arith.constant 112 : i32
          %parallel_loop3A_376 = arith.addi %parallel_loop3A_374, %parallel_loop3A_375 : i32
          %parallel_loop3A_377 = arith.index_cast %select_n3A_57 : i32 to index
          %parallel_loop3A_378 = arith.index_cast %parallel_loop3A_278 : i32 to index
          %parallel_loop3A_379 = arith.index_cast %parallel_loop3A_376 : i32 to index
          %parallel_loop3A_380 = tpu.vector_load %arg7[%parallel_loop3A_377, %parallel_loop3A_378, %parallel_loop3A_379] {strides = array<i32>} : memref<2x16x1024xf32, #tpu.memory_space<vmem>>, vector<1x1x16xf32>,
          %parallel_loop3A_381 = vector.shape_cast %parallel_loop3A_380 : vector<1x1x16xf32> to vector<16xf32>
          %parallel_loop3A_382 = vector.shape_cast %parallel_loop3A_372 : vector<16xf32> to vector<1x1x16xf32>
          tpu.vector_store %arg7[%parallel_loop3A_377, %parallel_loop3A_378, %parallel_loop3A_379], %parallel_loop3A_382 {strides = array<i32>} : memref<2x16x1024xf32, #tpu.memory_space<vmem>>, vector<1x1x16xf32>,
          scf.yield %parallel_loop3A_255 : i32
        } {sc.loop_unroll_factor = 1 : i64, sc.parallel_access}
      }
      %scan3A_94 = arith.constant 8 : i32
      %eq3A_95 = arith.constant 0 : i32
      %eq3A_96 = arith.cmpi eq, %select_n3A_57, %eq3A_95 : i32
      %convert_element_type3A_97 = arith.extui %eq3A_96 : i1 to i32
      %cond3A_98 = arith.constant 0 : i32
      %cond3A_99 = arith.cmpi ne, %convert_element_type3A_97, %cond3A_98 : i32
      scf.if %cond3A_99 {
        %mul3A_105 = arith.constant 16 : i32
        %mul3A_106 = arith.muli %scan3A_48, %mul3A_105 : i32
        %add3A_107 = arith.addi %mul3A_2, %mul3A_106 : i32
        %dma_start3A_108 = arith.constant 0 : i32
        %dma_start3A_109 = arith.constant 0 : i32
        %dma_start3A_110 = arith.constant 0 : i32
        %dma_start3A_111 = tpu.memref_slice %arg7[%dma_start3A_108, %dma_start3A_109, %dma_start3A_110] : memref<2x16x1024xf32, #tpu.memory_space<vmem>> -> memref<1x16x1024xf32, #tpu.memory_space<vmem>>
        %dma_start3A_112 = tpu.memref_squeeze %dma_start3A_111 : memref<1x16x1024xf32, #tpu.memory_space<vmem>> -> memref<16x1024xf32, #tpu.memory_space<vmem>>
        %dma_start3A_113 = arith.constant 0 : i32
        %dma_start3A_114 = tpu.memref_slice %arg4[%add3A_107, %dma_start3A_113] : memref<32768x1024xf32, #tpu.memory_space<hbm>> -> memref<16x1024xf32, #tpu.memory_space<hbm>>
        %dma_start3A_115 = arith.constant 0 : i32
        %dma_start3A_116 = tpu.memref_slice %arg4[%add3A_107, %dma_start3A_115] : memref<32768x1024xf32, #tpu.memory_space<hbm>> -> memref<16x1024xf32, #tpu.memory_space<hbm>>
        %dma_start3A_117 = arith.constant 0 : i32
        %dma_start3A_118 = arith.constant 0 : i32
        %dma_start3A_119 = tpu.memref_slice %arg7[%dma_start3A_108, %dma_start3A_117, %dma_start3A_118] : memref<2x16x1024xf32, #tpu.memory_space<vmem>> -> memref<1x16x1024xf32, #tpu.memory_space<vmem>>
        %dma_start3A_120 = tpu.memref_squeeze %dma_start3A_119 : memref<1x16x1024xf32, #tpu.memory_space<vmem>> -> memref<16x1024xf32, #tpu.memory_space<vmem>>
        tpu.enqueue_dma source(%dma_start3A_120 : memref<16x1024xf32, #tpu.memory_space<vmem>>) target(%dma_start3A_116 : memref<16x1024xf32, #tpu.memory_space<hbm>>) target_semaphore(%arg8 : memref<!tpu.dma_semaphore, #tpu.memory_space<semaphore_mem>>)
      } else {
      }
      %eq3A_100 = arith.constant 1 : i32
      %eq3A_101 = arith.cmpi eq, %select_n3A_57, %eq3A_100 : i32
      %convert_element_type3A_102 = arith.extui %eq3A_101 : i1 to i32
      %cond3A_103 = arith.constant 0 : i32
      %cond3A_104 = arith.cmpi ne, %convert_element_type3A_102, %cond3A_103 : i32
      scf.if %cond3A_104 {
        %mul3A_105 = arith.constant 16 : i32
        %mul3A_106 = arith.muli %scan3A_48, %mul3A_105 : i32
        %add3A_107 = arith.addi %mul3A_2, %mul3A_106 : i32
        %dma_start3A_108 = arith.constant 1 : i32
        %dma_start3A_109 = arith.constant 0 : i32
        %dma_start3A_110 = arith.constant 0 : i32
        %dma_start3A_111 = tpu.memref_slice %arg7[%dma_start3A_108, %dma_start3A_109, %dma_start3A_110] : memref<2x16x1024xf32, #tpu.memory_space<vmem>> -> memref<1x16x1024xf32, #tpu.memory_space<vmem>>
        %dma_start3A_112 = tpu.memref_squeeze %dma_start3A_111 : memref<1x16x1024xf32, #tpu.memory_space<vmem>> -> memref<16x1024xf32, #tpu.memory_space<vmem>>
        %dma_start3A_113 = arith.constant 0 : i32
        %dma_start3A_114 = tpu.memref_slice %arg4[%add3A_107, %dma_start3A_113] : memref<32768x1024xf32, #tpu.memory_space<hbm>> -> memref<16x1024xf32, #tpu.memory_space<hbm>>
        %dma_start3A_115 = arith.constant 0 : i32
        %dma_start3A_116 = tpu.memref_slice %arg4[%add3A_107, %dma_start3A_115] : memref<32768x1024xf32, #tpu.memory_space<hbm>> -> memref<16x1024xf32, #tpu.memory_space<hbm>>
        %dma_start3A_117 = arith.constant 0 : i32
        %dma_start3A_118 = arith.constant 0 : i32
        %dma_start3A_119 = tpu.memref_slice %arg7[%dma_start3A_108, %dma_start3A_117, %dma_start3A_118] : memref<2x16x1024xf32, #tpu.memory_space<vmem>> -> memref<1x16x1024xf32, #tpu.memory_space<vmem>>
        %dma_start3A_120 = tpu.memref_squeeze %dma_start3A_119 : memref<1x16x1024xf32, #tpu.memory_space<vmem>> -> memref<16x1024xf32, #tpu.memory_space<vmem>>
        tpu.enqueue_dma source(%dma_start3A_120 : memref<16x1024xf32, #tpu.memory_space<vmem>>) target(%dma_start3A_116 : memref<16x1024xf32, #tpu.memory_space<hbm>>) target_semaphore(%arg9 : memref<!tpu.dma_semaphore, #tpu.memory_space<semaphore_mem>>)
      } else {
      }
    }
    %scan3A_21 = arith.constant 64 : i32
    %dma_wait3A_22 = arith.constant 0 : i32
    %dma_wait3A_23 = arith.constant 0 : i32
    %dma_wait3A_24 = arith.constant 0 : i32
    %dma_wait3A_25 = tpu.memref_slice %arg7[%dma_wait3A_22, %dma_wait3A_23, %dma_wait3A_24] : memref<2x16x1024xf32, #tpu.memory_space<vmem>> -> memref<1x16x1024xf32, #tpu.memory_space<vmem>>
    %dma_wait3A_26 = tpu.memref_squeeze %dma_wait3A_25 : memref<1x16x1024xf32, #tpu.memory_space<vmem>> -> memref<16x1024xf32, #tpu.memory_space<vmem>>
    %dma_wait3A_27 = arith.constant 0 : i32
    %dma_wait3A_28 = tpu.memref_slice %arg4[%mul3A_2, %dma_wait3A_27] : memref<32768x1024xf32, #tpu.memory_space<hbm>> -> memref<16x1024xf32, #tpu.memory_space<hbm>>
    %dma_wait3A_29 = arith.constant 0 : i32
    %dma_wait3A_30 = tpu.memref_slice %arg4[%mul3A_2, %dma_wait3A_29] : memref<32768x1024xf32, #tpu.memory_space<hbm>> -> memref<16x1024xf32, #tpu.memory_space<hbm>>
    %dma_wait3A_31 = arith.constant 0 : i32
    %dma_wait3A_32 = arith.constant 0 : i32
    %dma_wait3A_33 = tpu.memref_slice %arg7[%dma_wait3A_22, %dma_wait3A_31, %dma_wait3A_32] : memref<2x16x1024xf32, #tpu.memory_space<vmem>> -> memref<1x16x1024xf32, #tpu.memory_space<vmem>>
    %dma_wait3A_34 = tpu.memref_squeeze %dma_wait3A_33 : memref<1x16x1024xf32, #tpu.memory_space<vmem>> -> memref<16x1024xf32, #tpu.memory_space<vmem>>
    tpu.wait_dma2 semaphore(%arg8 : memref<!tpu.dma_semaphore, #tpu.memory_space<semaphore_mem>>) src(%dma_wait3A_34 : memref<16x1024xf32, #tpu.memory_space<vmem>>) dst(%dma_wait3A_30 : memref<16x1024xf32, #tpu.memory_space<hbm>>)
    %dma_wait3A_35 = arith.constant 1 : i32
    %dma_wait3A_36 = arith.constant 0 : i32
    %dma_wait3A_37 = arith.constant 0 : i32
    %dma_wait3A_38 = tpu.memref_slice %arg7[%dma_wait3A_35, %dma_wait3A_36, %dma_wait3A_37] : memref<2x16x1024xf32, #tpu.memory_space<vmem>> -> memref<1x16x1024xf32, #tpu.memory_space<vmem>>
    %dma_wait3A_39 = tpu.memref_squeeze %dma_wait3A_38 : memref<1x16x1024xf32, #tpu.memory_space<vmem>> -> memref<16x1024xf32, #tpu.memory_space<vmem>>
    %dma_wait3A_40 = arith.constant 0 : i32
    %dma_wait3A_41 = tpu.memref_slice %arg4[%mul3A_2, %dma_wait3A_40] : memref<32768x1024xf32, #tpu.memory_space<hbm>> -> memref<16x1024xf32, #tpu.memory_space<hbm>>
    %dma_wait3A_42 = arith.constant 0 : i32
    %dma_wait3A_43 = tpu.memref_slice %arg4[%mul3A_2, %dma_wait3A_42] : memref<32768x1024xf32, #tpu.memory_space<hbm>> -> memref<16x1024xf32, #tpu.memory_space<hbm>>
    %dma_wait3A_44 = arith.constant 0 : i32
    %dma_wait3A_45 = arith.constant 0 : i32
    %dma_wait3A_46 = tpu.memref_slice %arg7[%dma_wait3A_35, %dma_wait3A_44, %dma_wait3A_45] : memref<2x16x1024xf32, #tpu.memory_space<vmem>> -> memref<1x16x1024xf32, #tpu.memory_space<vmem>>
    %dma_wait3A_47 = tpu.memref_squeeze %dma_wait3A_46 : memref<1x16x1024xf32, #tpu.memory_space<vmem>> -> memref<16x1024xf32, #tpu.memory_space<vmem>>
    tpu.wait_dma2 semaphore(%arg9 : memref<!tpu.dma_semaphore, #tpu.memory_space<semaphore_mem>>) src(%dma_wait3A_47 : memref<16x1024xf32, #tpu.memory_space<vmem>>) dst(%dma_wait3A_43 : memref<16x1024xf32, #tpu.memory_space<hbm>>)
    return
  }
}

</mosaic_0001>

<sc_bundles>
// kernel: kernel.3.cloned.1.call-start
scs
__scs_entry_jumppad:
0x0: {  	(pc) =	sbr.rel $0x88, $3  }
0x1: {  	(tag) =	ssettag $0x0;
	lr =	simm.s32 $0x1  }
0x2: {  	[smem:$0x3F9F] =	sst lr;
	_ =	strace $0xD0000000  }
0x3: {  	_ = 	snop  }
0x4: {  	_ = 	snop  }
0x5: {  	_ = 	snop  }
0x6: {  	_ = 	snop  }
0x7: {  	_ = 	snop  }
__scs_overlays_trampoline_lowered:
0x8: {  	[smem:$0x3FAE] =	sst s0  }
0x9: {  	[smem:$0x3FAF] =	sst s1  }
0xa: {  	[smem:$0x3FB0] =	sst s2  }
0xb: {  	[smem:$0x3FB1] =	sst s3  }
0xc: {  	[smem:$0x3FB2] =	sst s4  }
0xd: {  	[smem:$0x3FB3] =	sst s5  }
0xe: {  	[smem:$0x3FB4] =	sst s6  }
0xf: {  	[smem:$0x3FB5] =	sst s7  }
0x10: {  	[smem:$0x3FB6] =	sst s8  }
0x11: {  	[smem:$0x3FB7] =	sst s9;
	s0 =	simm.s32 @!p0 $0x0  }
0x12: {  	s1 =	sld [smem:$0x3F9D];
	s0 =	simm.s32 @p0 $0x1  }
0x13: {  	[smem:$0x3FB8] =	sst s0;
	s0 =	simm.s32 @!p1 $0x0  }
0x14: {  	s2 =	sld [smem:$0x3F9C];
	s0 =	simm.s32 @p1 $0x1  }
0x15: {  	[smem:$0x3FB9] =	sst s0;
	s0 =	simm.s32 @!p2 $0x0  }
0x16: {  	s3 =	sld [smem:$0x3FDB];
	s0 =	simm.s32 @p2 $0x1  }
0x17: {  	s4 =	simm.s32 $0x1BF5;
	[smem:$0x3FBB] =	sst s0  }
0x18: {  	s0 =	sld [smem:$0x3F9E];
	_ =	swait.ge [sflag:s4], $0x0  }
0x19: {  	s7 =	sld [smem:$0x3F9F]  }
0x1a: {  	s8 =	sadd.s32 $0xFFFFE003, lr  }
0x1b: {  	s9 =	sadd.s32 $0xFFFFFEF7, lr;
	s5 =	simm.s32 $0xFFFFFFFF;
	p2 =	slt.u32 s8, $0xFFFFF086  }
0x1c: {  	p1 =	slt.u32 s9, $0xF7A;
	s5 =	simm.s32 @!p2 $0x0  }
0x1d: {  	s5 =	simm.s32 @p1 $0x1;
	p0 =	seq.s32 s7, s2  }
0x1e: {  	s7 =	smul.u32 @!p0 $0xF7A, s2;
	p2 =	seq.s32 @!p0 s5, $0x0  }
0x1f: {  	s9 =	smul.u32 $0xF7A, s1;
	s8 =	simm.s32 @!p0 $0x1BF5;
	p2 =	por !p2, p0  }
0x20: {  	[sflag:s8] =	ssyncset.s32 @!p0 $0xFFFFF086;
	s6 =	sadd.s32 @!p0 s3, s7;
	s7 =	simm.s32 @!p0 $0x108  }
0x21: {  	s3 =	sadd.s32 s3, s9;
	s6 =	sadd.s32 @!p0 $0x88, s6;
	s7 =	simm.s32 @p2 $0x1082  }
0x22: {  	[simem:s7], [sflag:s8] =	dma.local @!p0 [hbm:s6], $0xF7A  }
0x23: {  	s9 =	sor.u32 $0xD0000000, s2;
	s6 =	simm.s32 $0x108;
	_ =	swait.ge @!p0 [sflag:s8], $0x0  }
0x24: {  	s3 =	sadd.s32 $0x88, s3;
	s6 =	simm.s32 @!p1 $0x1082;
	[sflag:s4] =	ssyncset.s32 $0xFFFFF086  }
0x25: {  	[simem:s6], [sflag:s4] =	dma.local [hbm:s3], $0xF7A  }
0x26: {  	[smem:$0x3F9F] =	sst s1;
	(tag) =	ssettag s2;
	_ =	strace s9  }
0x27: {  	s1 =	sld [smem:$0x3FAF]  }
0x28: {  	s2 =	sld [smem:$0x3FB0]  }
0x29: {  	s4 =	sld [smem:$0x3FB2]  }
0x2a: {  	p0 =	seq.s32 s5, $0x0;
	s5 =	sld [smem:$0x3FB3]  }
0x2b: {  	s6 =	sld [smem:$0x3FB4]  }
0x2c: {  	s7 =	sld [smem:$0x3FB5]  }
0x2d: {  	s3 =	simm.s32 $0x108;
	s8 =	sld [smem:$0x3FB6]  }
0x2e: {  	s3 =	simm.s32 @!p0 $0x1082;
	s9 =	sld [smem:$0x3FB7]  }
0x2f: {  	lr =	sadd.s32 s0, s3;
	s0 =	sld [smem:$0x3FAE]  }
0x30: {  	s3 =	sld [smem:$0x3FB1]  }
0x31: {  	[smem:$0x3FBA] =	sst s10  }
0x32: {  	s10 =	sld [smem:$0x3FB8];
	_ =	sdelay $0x3  }
0x33: {  	p0 =	seq.s32 s10, $0x1;
	s10 =	sld [smem:$0x3FBA];
	_ =	sdelay $0x3  }
0x34: {  	[smem:$0x3FBA] =	sst s10  }
0x35: {  	s10 =	sld [smem:$0x3FB9];
	_ =	sdelay $0x3  }
0x36: {  	p1 =	seq.s32 s10, $0x1;
	s10 =	sld [smem:$0x3FBA];
	_ =	sdelay $0x3  }
0x37: {  	[smem:$0x3FBA] =	sst s10  }
0x38: {  	s10 =	sld [smem:$0x3FBB]  }
0x39: {  	_ = 	snop;
	(pc) =	sbr.ind lr, $3  }
0x3a: {  	_ = 	snop  }
0x3b: {  	_ = 	snop  }
0x3c: {  	p2 =	seq.s32 s10, $0x1;
	s10 =	sld [smem:$0x3FBA]  }
0x3d: {  	_ =	shalt  }
0x3e: {  	_ =	shalt  }
0x3f: {  	_ =	shalt  }
0x40: {  	_ =	shalt  }
0x41: {  	_ =	shalt  }
0x42: {  	_ =	shalt  }
0x43: {  	_ =	shalt  }
0x44: {  	_ =	shalt  }
0x45: {  	_ =	shalt  }
0x46: {  	_ =	shalt  }
0x47: {  	_ =	shalt  }
0x48: {  	_ =	shalt  }
0x49: {  	_ =	shalt  }
0x4a: {  	_ =	shalt  }
0x4b: {  	_ =	shalt  }
0x4c: {  	_ =	shalt  }
0x4d: {  	_ =	shalt  }
0x4e: {  	_ =	shalt  }
0x4f: {  	_ =	shalt  }
0x50: {  	_ =	shalt  }
0x51: {  	_ =	shalt  }
0x52: {  	_ =	shalt  }
0x53: {  	_ =	shalt  }
0x54: {  	_ =	shalt  }
0x55: {  	_ =	shalt  }
0x56: {  	_ =	shalt  }
0x57: {  	_ =	shalt  }
0x58: {  	_ =	shalt  }
0x59: {  	_ =	shalt  }
0x5a: {  	_ =	shalt  }
0x5b: {  	_ =	shalt  }
0x5c: {  	_ =	shalt  }
0x5d: {  	_ =	shalt  }
0x5e: {  	_ =	shalt  }
0x5f: {  	_ =	shalt  }
0x60: {  	_ =	shalt  }
0x61: {  	_ =	shalt  }
0x62: {  	_ =	shalt  }
0x63: {  	_ =	shalt  }
0x64: {  	_ =	shalt  }
0x65: {  	_ =	shalt  }
0x66: {  	_ =	shalt  }
0x67: {  	_ =	shalt  }
0x68: {  	_ =	shalt  }
0x69: {  	_ =	shalt  }
0x6a: {  	_ =	shalt  }
0x6b: {  	_ =	shalt  }
0x6c: {  	_ =	shalt  }
0x6d: {  	_ =	shalt  }
0x6e: {  	_ =	shalt  }
0x6f: {  	_ =	shalt  }
0x70: {  	_ =	shalt  }
0x71: {  	_ =	shalt  }
0x72: {  	_ =	shalt  }
0x73: {  	_ =	shalt  }
0x74: {  	_ =	shalt  }
0x75: {  	_ =	shalt  }
0x76: {  	_ =	shalt  }
0x77: {  	_ =	shalt  }
0x78: {  	_ =	shalt  }
0x79: {  	_ =	shalt  }
0x7a: {  	_ =	shalt  }
0x7b: {  	_ =	shalt  }
0x7c: {  	_ =	shalt  }
0x7d: {  	_ =	shalt  }
0x7e: {  	_ =	shalt  }
0x7f: {  	_ =	shalt  }
0x80: {  	_ =	shalt  }
0x81: {  	_ =	shalt  }
0x82: {  	_ =	shalt  }
0x83: {  	_ =	shalt  }
0x84: {  	_ =	shalt  }
0x85: {  	_ =	shalt  }
0x86: {  	_ =	shalt  }
0x87: {  	_ =	shalt  }
.Lfunc_end0:
.L_simem_size_0:
called_computation_lowered:
.L_overlay_start_0:
0x88: {  	s2 =	sld [smem:$0x3FD9]  }
0x89: {  	s3 =	sld [smem:$0x3FFE];
	_ =	sdelay $0x1  }
0x8a: {  	s1 =	srdreg.scid  }
0x8b: {  	s0 =	sand.u32 $0x1, s1  }
0x8c: {  	s17 =	sshll.u32 s0, $0xA;
	s2 =	sadd.s32 s3, s2  }
0x8d: {  	s2 =	sadd.s32 s2, s17  }
0x8e: {  	[smem:$0x3FC6] =	sst s2  }
0x8f: {  	_ = 	snop  }
0x90: {  	s2 =	sld [smem:$0x3FC8]  }
0x91: {  	s18 =	sld [smem:$0x3FD0];
	(tm) =	ssettm $0x1  }
0x92: {  	s4 =	sld [smem:$0x3FFB];
	_ =	sdelay $0x3  }
0x93: {  	_ =	strace s4  }
0x94: {  	s4 =	sld [smem:$0x3FFC];
	_ =	sdelay $0x3  }
0x95: {  	_ =	strace s4  }
0x96: {  	s4 =	sld [smem:$0x3FFD];
	_ =	sdelay $0x3  }
0x97: {  	_ =	strace s4  }
0x98: {  	_ =	strace $0x8FFFFFFF  }
0x99: {  	s19 =	sld [smem:$0x3FDB];
	_ =	sdelay $0x1  }
0x9a: {  	s5 =	simm.s32 $_scs_section_size  }
0x9b: {  	s6 =	simm.s32 $_size__tile_overlayer_lowered;
	s7 =	simm.s32 $_tile_overlayer_lowered  }
0x9c: {  	s22 =	simm.s32 $0x1BFF;
	s21 =	sshll.u32 s7, $0x1;
	s4 =	sadd.s32 s5, s19  }
0x9d: {  	s8 =	simm.s32 $0x0;
	s20 =	sshll.u32 s6, $0x1;
	s6 =	sadd.s32 s21, s4  }
0x9e: {  	[timem:s8], [sflag:s22] =	dma.local [hbm:s6], s20  }
0x9f: {  	_ =	swait.ge [sflag:s22], s20  }
0xa0: {  	s5 =	ssub.s32 $0x0, s20;
	[sflag:s22] =	ssyncset.done $0x0  }
0xa1: {  	[sflag:s22] =	ssyncadd.s32 s5;
	_ =	sdelay $0x1  }
0xa2: {  	s23 =	simm.s32 $0x1B8B  }
0xa3: {  	_ =	swait.ge [sflag:s23], $0x1  }
0xa4: {  	[sflag:s23] =	ssyncset.done $0x0  }
0xa5: {  	s25 =	simm.s32 $0x1B8E;
	s24 =	sld [smem:$0x3FFE];
	[sflag:s23] =	ssyncadd.s32 $0xFFFFFFFF  }
0xa6: {  	s26 =	simm.s32 $execute0_lowered;
	[smem:$0x3FD2] =	sst s25  }
0xa7: {  	s6 =	sshll.u32 s26, $0x1;
	_ =	strace $0x80000046;
	[dreg:$0x1] =	wrdreg $0xFFFFFFFF  }
0xa8: {  	s28 =	simm.s32 $_size_execute0_lowered;
	s4 =	sadd.s32 s4, s6;
	[dreg:$0x0] =	wrdreg $0x0  }
0xa9: {  	s6 =	sshll.u32 s28, $0x1;
	[dreg:$0x2] =	wrdreg s4  }
0xaa: {  	[dreg:$0x3] =	wrdreg s6  }
0xab: {  	[dreg:$0x4] =	wrdreg $0xC0  }
0xac: {  	_ =	task [dreg:s8], $0x5FFFF  }
0xad: {  	[dreg:$0x1] =	wrdreg $0xFFFFFFFF  }
0xae: {  	[dreg:$0x0] =	wrdreg $0x60  }
0xaf: {  	[dreg:$0x2] =	wrdreg s24  }
0xb0: {  	[dreg:$0x3] =	wrdreg s2  }
0xb1: {  	[dreg:$0x4] =	wrdreg s18  }
0xb2: {  	[dreg:$0x5] =	wrdreg $0x9  }
0xb3: {  	_ =	task.clear_ibuf [dreg:s8], $0x6FFFF;
	_ =	strace $0x90000046  }
0xb4: {  	s29 =	simm.s32 $0x9;
	_ =	strace $0x80000048  }
0xb5: {  	_ =	swait.ge [sflag:s29], $0x1  }
0xb6: {  	[sflag:s29] =	ssyncadd.s32 $0xFFFFFFFF  }
0xb7: {  	_ =	strace $0x90000048  }
0xb8: {  	_ =	sfence  }
0xb9: {  	s30 =	sld [smem:$0x0];
	_ =	sdelay $0x2  }
0xba: {  	s31 =	sshll.u32 s1, $0xD;
	s1 =	sshrl.u32 s1, $0x2  }
0xbb: {  	s3 =	sand.u32 $0x4000, s31;
	s1 =	sadd.s32 s1, s30  }
0xbc: {  	s0 =	sor.u32 s3, s0;
	s1 =	sshll.u32 s1, $0x11  }
0xbd: {  	s0 =	sor.u32 s1, s0  }
0xbe: {  	s0 =	sadd.s32 $0x8F2B, s0  }
0xbf: {  	[sflag:s0] =	ssyncadd.remote.s32 $0x1  }
0xc0: {  	_ =	sfence.sel $0xFFFF  }
0xc1: {  	[dreg:$0x0] =	wrdreg $0xFFFFFFFF;
	(pc) =	sbr.abs _section_cstart, $3  }
0xc2: {  	[dreg:$0x1] =	wrdreg $0xFFFFFFFF  }
0xc3: {  	_ =	task.clear_ibuf [dreg:s8], $0x2FFFF;
	_ =	strace $0x9FFFFFFF  }
0xc4: {  	(tm) =	ssettm $0x7FFFFFFF  }
0xc5: {  	_ =	shalt  }
tec
execute0_lowered:
.L_overlay_start_1:
0x0: {  	(tag) =	ssettag $0x1  }
0x1: {  	s4 =	rddreg [dreg:$0x0]  }
0x2: {  	s2 =	rddreg [dreg:$0x1]  }
0x3: {  	s5 =	rddreg [dreg:$0x2]  }
0x4: {  	s0 =	rddreg [dreg:$0x3];
	s6 =	srdreg.scid  }
0x5: {  	s1 =	stileid.u32;
	s3 =	simm.s32 $0x0;
	s9 =	simm.s32 $0x1  }
0x6: {  	s10 =	simm.s32 $0x2;
	s6 =	sand.u32 $0x1, s6;
	s7 =	sshll.u32 s1, $0x1  }
0x7: {  	s11 =	simm.s32 $0x0;
	[smem:$0x7FF] =	sst s3;
	s7 =	sor.u32 s6, s7  }
0x8: {  	_ =	strace $0x80000047;
	s6 =	ssub.s32 $0x2, s6;
	s8 =	sshll.u32 s7, $0xA  }
0x9: {  	s31 =	sshrl.u32 s6, $0x1;
	s7 =	sshll.u32 s7, $0x11;
	s4 =	sadd.s32 s8, s4  }
0xa: {  	s6 =	ssub.s32 s6, s31;
	s5 =	sadd.s32 s5, s7;
	s7 =	simm.s32 $0x2000  }
0xb: {  	v0 =	vimm.f32 $0.0e+00;
	s8 =	simm.s32 $0x3;
	s4 =	sadd.s32 $0x400, s4;
	s6 =	smax.u32 s6, $0x1  }
.LBB2_1:
0xc: {  	[tilespmem:s3], [sflag:$0x3] =	stream.linear.gather [hbm4b:s4+s3], $0x2000, $0x38;
	[tilespmem:$0xB000] =	vst v63  }
0xd: {  	_ = 	snop  }
0xe: {  	[tilespmem:s7], [sflag:$0x1] =	stream.linear.gather [hbm4b:s2+s3], $0x1000, $0x38;
	[tilespmem:$0xB000] =	vst v63  }
0xf: {  	_ =	swait.ge [sflag:s8], $0x2000  }
0x10: {  	[sflag:s8] =	ssyncset.done $0x0  }
0x11: {  	[sflag:s8] =	ssyncadd.s32 $0xFFFFE000  }
0x12: {  	_ =	swait.ge [sflag:s9], $0x1000  }
0x13: {  	[sflag:s9] =	ssyncset.done $0x0  }
0x14: {  	s12 =	simm.s32 $0x0;
	[sflag:s9] =	ssyncadd.s32 $0xFFFFF000  }
.LBB2_2:
0x15: {  	s13 =	sand.u32 $0x1, s12;
	p0 =	slt.u32 s12, $0x2  }
0x16: {  	p1 =	sne.s32 @!p0 s13, $0x0  }
0x17: {  	p1 =	por p1, p0  }
0x18: {  	s14 =	simm.s32 @!p1 $0x1  }
0x19: {  	p2 =	slt.u32 s12, $0x3;
	p0 =	seq.s32 s13, $0x1;
	_ =	swait.ge @!p1 [sflag:s14], $0x4000  }
0x1a: {  	p2 =	por !p0, p2;
	[sflag:s14] =	ssyncset.done @!p1 $0x0  }
0x1b: {  	[sflag:s14] =	ssyncadd.s32 @!p1 $0xFFFFC000;
	s14 =	simm.s32 @!p2 $0x2  }
0x1c: {  	_ =	swait.ge @!p2 [sflag:s14], $0x4000  }
0x1d: {  	s15 =	sshll.u32 s12, $0x7;
	[sflag:s14] =	ssyncset.done @!p2 $0x0  }
0x1e: {  	s30 =	sand.u32 $0x3FFFFF80, s15;
	[sflag:s14] =	ssyncadd.s32 @!p2 $0xFFFFC000  }
0x1f: {  	v1 =	vld [tilespmem:s30+$0x0];
	_ =	sdelay $0x4  }
0x20: {  	s31 =	sshll.u32 s13, $0xE;
	vm0 =	veq.s32 v1, $0x1;
	vm1 =	veq.s32 v1, $0x2  }
0x21: {  	s16 =	simm.s32 $0x0;
	s15 =	simm.s32 $0x0;
	s14 =	sor.u32 $0x3000, s31;
	v1 =	vsel vm0, $0x3F800000, v0;
	v2 =	vsel vm1, $0x3F800000, v0  }
.LBB2_3:
0x22: {  	s17 =	sshll.u32 s16, $0x9  }
0x23: {  	s18 =	sand.u32 $0x3FFFFE00, s17  }
0x24: {  	v12 =	vld [tilespmem:s18+$0x2080]  }
0x25: {  	v8 =	vld [tilespmem:s18+$0x2090]  }
0x26: {  	v6 =	vld [tilespmem:s18+$0x20A0]  }
0x27: {  	v5 =	vld [tilespmem:s18+$0x20B0]  }
0x28: {  	v4 =	vld [tilespmem:s18+$0x20C0]  }
0x29: {  	v3 =	vld [tilespmem:s18+$0x20D0]  }
0x2a: {  	v7 =	vmov s15;
	v17 =	vld [tilespmem:s18+$0x20F0]  }
0x2b: {  	v7 =	vand.u32 $0xF, v7;
	v18 =	vld [tilespmem:s18+$0x2170]  }
0x2c: {  	v16 =	vld [tilespmem:s18+$0x2100];
	v7 =	vbroadcast v7, $0x0  }
0x2d: {  	v15 =	vld [tilespmem:s18+$0x2110]  }
0x2e: {  	v9 =	vld [tilespmem:s18+$0x2120];
	v19 =	vperm.xlane v1, v7;
	v20 =	vperm.xlane v2, v7  }
0x2f: {  	s31 =	sshll.u32 s16, $0xA;
	v10 =	vld [tilespmem:s18+$0x2130]  }
0x30: {  	s17 =	sand.u32 $0x3FFFFC00, s31;
	v11 =	vld [tilespmem:s18+$0x2140];
	v14 =	vmul.f32 v19, v17;
	v23 =	vmul.f32 v20, v18  }
0x31: {  	s19 =	sand.u32 $0x2000, s15;
	s17 =	sadd.s32 s17, s14;
	v13 =	vld [tilespmem:s18+$0x2150];
	v24 =	vmul.f32 v19, v12;
	v25 =	vmul.f32 v20, v16  }
0x32: {  	s20 =	sand.u32 $0x380, s15;
	s19 =	sadd.s32 s19, s17;
	v7 =	vld [tilespmem:s18+$0x20E0];
	v21 =	vmul.f32 v19, v8;
	v22 =	vmul.f32 v20, v15;
	v29 =	vadd.f32 v23, v14  }
0x33: {  	s21 =	simm.s32 $0x1;
	v26 =	vmul.f32 v20, v9;
	v14 =	vld [tilespmem:s18+$0x2160];
	v27 =	vadd.f32 v25, v24;
	s18 =	sadd.s32 s20, s19;
	v24 =	vmul.f32 v19, v6  }
0x34: {  	v28 =	vmov s21;
	s21 =	simm.s32 $0x2;
	v23 =	vmul.f32 v19, v5;
	v25 =	vmul.f32 v20, v10;
	s20 =	simm.s32 $0x0;
	s19 =	simm.s32 $0x0;
	[tilespmem:s18+$0x70] =	vst v29  }
.LBB2_4:
0x35: {  	p1 =	sne.s32 s21, $0xF;
	v28 =	vand.u32 $0xF, v28;
	[tilespmem:s18+$0x0] =	vst v27;
	v27 =	vmul.f32 v19, v4;
	v29 =	vmul.f32 v20, v11  }
0x36: {  	v21 =	vadd.f32 v22, v21;
	v22 =	vmul.f32 v19, v3;
	v28 =	vbroadcast v28, $0x0  }
0x37: {  	v24 =	vadd.f32 v26, v24;
	v26 =	vmul.f32 v20, v13;
	v30 =	vmul.f32 v19, v7  }
0x38: {  	v19 =	vperm.xlane v1, v28;
	v28 =	vperm.xlane v2, v28;
	[tilespmem:s18+$0x10] =	vst v21;
	v21 =	vadd.f32 v25, v23  }
0x39: {  	v23 =	vadd.f32 v29, v27;
	[tilespmem:s18+$0x20] =	vst v24;
	v24 =	vadd.f32 v26, v22;
	v22 =	vmul.f32 v20, v14  }
.Ltmp0:
0x3a: {  	s20 =	sadd.s32 $0x400, s20;
	v25 =	vmul.f32 v19, v17;
	v26 =	vmul.f32 v28, v18;
	[tilespmem:s18+$0x30] =	vst v21;
	v20 =	vmov v28;
	(pc) =	sbr.rel @p1 .LBB2_4-.Ltmp0, $4  }
0x3b: {  	s19 =	sadd.s32 $0x80, s19;
	s22 =	sand.u32 $0x2000, s20;
	v27 =	vmul.f32 v19, v12;
	v28 =	vmul.f32 v20, v16;
	[tilespmem:s18+$0x40] =	vst v23;
	v23 =	vadd.f32 v22, v30  }
0x3c: {  	s23 =	sand.u32 $0x380, s19;
	s22 =	sadd.s32 s22, s17;
	v21 =	vmul.f32 v19, v8;
	v22 =	vmul.f32 v20, v15;
	v29 =	vadd.f32 v26, v25;
	[tilespmem:s18+$0x50] =	vst v24  }
0x3d: {  	v24 =	vmul.f32 v19, v6;
	v26 =	vmul.f32 v20, v9;
	v27 =	vadd.f32 v28, v27;
	[tilespmem:s18+$0x60] =	vst v23;
	s18 =	sadd.s32 s23, s22  }
0x3e: {  	v25 =	vmul.f32 v20, v10;
	v28 =	vmov s21;
	s21 =	sadd.s32 $0x1, s21;
	v23 =	vmul.f32 v19, v5;
	[tilespmem:s18+$0x70] =	vst v29  }
0x3f: {  	v28 =	vand.u32 $0xF, v28;
	v29 =	vmul.f32 v19, v4  }
0x40: {  	v30 =	vmul.f32 v20, v11;
	v21 =	vadd.f32 v22, v21;
	v28 =	vbroadcast v28, $0x0  }
0x41: {  	[tilespmem:s18+$0x0] =	vst v27;
	v51 =	vmul.f32 v19, v3;
	v24 =	vadd.f32 v26, v24;
	v52 =	vmul.f32 v20, v13  }
0x42: {  	v54 =	vadd.f32 v25, v23;
	[tilespmem:s18+$0x10] =	vst v21;
	v53 =	vperm.xlane v1, v28;
	v28 =	vperm.xlane v2, v28  }
0x43: {  	v55 =	vmul.f32 v19, v7;
	v57 =	vmul.f32 v20, v14;
	[tilespmem:s18+$0x20] =	vst v24;
	v56 =	vadd.f32 v30, v29  }
0x44: {  	s20 =	sadd.s32 $0x400, s20;
	v22 =	vadd.f32 v52, v51;
	[tilespmem:s18+$0x30] =	vst v54;
	v17 =	vmul.f32 v53, v17;
	v18 =	vmul.f32 v28, v18  }
0x45: {  	s19 =	sadd.s32 $0x80, s19;
	s20 =	sand.u32 $0x2000, s20;
	v19 =	vadd.f32 v57, v55;
	[tilespmem:s18+$0x40] =	vst v56;
	v12 =	vmul.f32 v53, v12;
	v16 =	vmul.f32 v28, v16  }
0x46: {  	s19 =	sand.u32 $0x380, s19;
	s17 =	sadd.s32 s20, s17;
	[tilespmem:s18+$0x50] =	vst v22;
	v8 =	vmul.f32 v53, v8;
	v15 =	vmul.f32 v28, v15;
	v17 =	vadd.f32 v18, v17  }
0x47: {  	s17 =	sadd.s32 s19, s17;
	[tilespmem:s18+$0x60] =	vst v19;
	v6 =	vmul.f32 v53, v6;
	v9 =	vmul.f32 v28, v9;
	v12 =	vadd.f32 v16, v12  }
0x48: {  	v5 =	vmul.f32 v53, v5;
	v10 =	vmul.f32 v28, v10;
	v8 =	vadd.f32 v15, v8;
	[tilespmem:s17+$0x70] =	vst v17  }
0x49: {  	s16 =	sadd.s32 $0x1, s16;
	v58 =	vmul.f32 v53, v4;
	v59 =	vmul.f32 v28, v11;
	v6 =	vadd.f32 v9, v6;
	[tilespmem:s17+$0x0] =	vst v12  }
0x4a: {  	p1 =	sne.s32 s16, $0x8;
	v3 =	vmul.f32 v53, v3;
	v60 =	vmul.f32 v28, v13;
	v5 =	vadd.f32 v10, v5;
	[tilespmem:s17+$0x10] =	vst v8  }
.Ltmp1:
0x4b: {  	v61 =	vmul.f32 v53, v7;
	v62 =	vmul.f32 v28, v14;
	v4 =	vadd.f32 v59, v58;
	[tilespmem:s17+$0x20] =	vst v6;
	(pc) =	sbr.rel @p1 .LBB2_3-.Ltmp1, $4  }
0x4c: {  	v3 =	vadd.f32 v60, v3;
	[tilespmem:s17+$0x30] =	vst v5  }
0x4d: {  	v63 =	vadd.f32 v62, v61;
	[tilespmem:s17+$0x40] =	vst v4  }
0x4e: {  	[tilespmem:s17+$0x50] =	vst v3  }
0x4f: {  	[tilespmem:s17+$0x60] =	vst v63  }
0x50: {  	p1 =	sne.s32 s13, $0x0  }
0x51: {  	s13 =	sshll.u32 @!p1 s12, $0xB  }
0x52: {  	s14 =	simm.s32 @!p1 $0x0;
	s15 =	simm.s32 @!p1 $0x3000;
	s13 =	sadd.s32 @!p1 s13, s5  }
0x53: {  	[hbm4b:s13+s14] =	stream.linear.scatter @!p1 [tilespmem:s15], [sflag:$0x1], $0x4000, $0x38;
	[tilespmem:$0xB000] =	vst v63  }
0x54: {  	s13 =	sshll.u32 @p0 s12, $0xB;
	s14 =	simm.s32 @p0 $0x0  }
0x55: {  	s15 =	simm.s32 @p0 $0x7000;
	s12 =	sadd.s32 $0x1, s12;
	s13 =	sadd.s32 @p0 s13, s5  }
0x56: {  	[hbm4b:s13+s14] =	stream.linear.scatter @p0 [tilespmem:s15], [sflag:$0x2], $0x4000, $0x38;
	[tilespmem:$0xB000] =	vst v63  }
0x57: {  	p0 =	sne.s32 s12, $0x40  }
.Ltmp2:
0x58: {  	_ = 	snop;
	(pc) =	sbr.rel @p0 .LBB2_2-.Ltmp2, $1  }
0x59: {  	_ =	sdelay $0x3  }
0x5a: {  	s11 =	sadd.s32 $0x1, s11  }
0x5b: {  	_ =	swait.ge [sflag:s9], $0x4000;
	p0 =	sne.s32 s11, s6  }
.Ltmp3:
0x5c: {  	[sflag:s9] =	ssyncset.done $0x0;
	(pc) =	sbr.rel @p0 .LBB2_1-.Ltmp3, $4  }
0x5d: {  	[sflag:s9] =	ssyncadd.s32 $0xFFFFC000  }
0x5e: {  	_ =	swait.ge [sflag:s10], $0x4000  }
0x5f: {  	[sflag:s10] =	ssyncset.done $0x0  }
0x60: {  	[sflag:s10] =	ssyncadd.s32 $0xFFFFC000  }
0x61: {  	_ =	sfence.sel $0x180000  }
0x62: {  	[bflag:$0x0] =	sbarrier.arrive $0xFFFF  }
0x63: {  	p0 =	sne.s32 s1, $0x0;
	_ =	strace $0x90000047  }
0x64: {  	s0 =	sadd.s32 @!p0 $0x100000, s0;
	[bflag:$0x2] =	sbarrier.arrive $0xFFFF  }
0x65: {  	[sflag:s0] =	ssyncadd.tile.s32 @!p0 $0x1;
	_ =	shalt  }
.Lfunc_end2:
_tile_overlayer_lowered:
.L_overlay_start_2:
0x66: {  	(tag) =	ssettag $0x2  }
0x67: {  	s0 =	rddreg [dreg:$0x0];
	s2 =	stileid.u32  }
0x68: {  	s1 =	rddreg [dreg:$0x1];
	p0 =	sne.s32 s2, $0x0  }
0x69: {  	s3 =	rddreg [dreg:$0x2];
	[bflag:$0x3] =	sbarrier.arrive $0xFFFF;
	s2 =	simm.s32 @!p0 $0x1C04  }
0x6a: {  	[timem:s3], [sflag:s2] =	dma.local @!p0 [hbm:s0], s1  }
0x6b: {  	s0 =	simm.s32 @!p0 $0x4  }
0x6c: {  	_ =	swait.ge @!p0 [sflag:s0], s1  }
0x6d: {  	s1 =	ssub.s32 @!p0 $0x0, s1;
	[sflag:s0] =	ssyncset.done @!p0 $0x0  }
0x6e: {  	[sflag:s0] =	ssyncadd.s32 @!p0 s1  }
0x6f: {  	[bflag:$0x3] =	sbarrier.arrive $0xFFFF  }
0x70: {  	_ =	shalt  }

</sc_bundles>
